<compile_context>
chip_gen: v7x
topology: tpu7x:2x2x1
jax: 0.10.2.dev20260603
libtpu: 0.0.44.dev20260713+nightly
codegen_flags: <defaults>
</compile_context>

<pallas_src>
import functools

import jax
import jax.numpy as jnp
from jax.experimental import pallas as pl
from jax.experimental.pallas import tpu as pltpu

_ROWS = 2048
_COLS = 2048
_UNITS = 64
_NLEVELS = 5

_BI = 256
_W = 128
_BW = _W * _UNITS


def _gather_kernel(idx_ref, rep_ref, embt_ref, out_ref):
    idxf = idx_ref[...].astype(jnp.bfloat16)
    s = jnp.dot(idxf, rep_ref[...], preferred_element_type=jnp.float32)
    e = embt_ref[...]
    acc = jnp.broadcast_to(e[0:1, :], s.shape)
    for k in range(1, _NLEVELS):
        acc = jnp.where(s >= (k - 0.5), jnp.broadcast_to(e[k : k + 1, :], s.shape), acc)
    out_ref[...] = acc


@functools.partial(jax.jit, static_argnames=())
def _run(relative_mat, embedding):
    n_i = _ROWS // _BI
    n_j = _COLS // _W

    q = jnp.arange(_W, dtype=jnp.int32)[:, None]
    c = jnp.arange(_BW, dtype=jnp.int32)[None, :]
    rep = (c // _UNITS == q).astype(jnp.bfloat16)

    embt = jnp.tile(embedding, (1, _W))

    out2d = pl.pallas_call(
        _gather_kernel,
        grid=(n_i, n_j),
        in_specs=[
            pl.BlockSpec((_BI, _W), lambda i, j: (i, j)),
            pl.BlockSpec((_W, _BW), lambda i, j: (0, 0)),
            pl.BlockSpec((_NLEVELS, _BW), lambda i, j: (0, 0)),
        ],
        out_specs=pl.BlockSpec((_BI, _BW), lambda i, j: (i, j)),
        out_shape=jax.ShapeDtypeStruct((_ROWS, _COLS * _UNITS), jnp.float32),
        compiler_params=pltpu.CompilerParams(
            dimension_semantics=("parallel", "arbitrary"),
        ),
    )(relative_mat, rep, embt)
    return out2d.reshape(_ROWS, _COLS, _UNITS)


def kernel(relative_mat, embedding):
    return _run(relative_mat, embedding)

# --- scband reference (transcript-rebuilt; emitter-appended) ---
"""Pipeline reference for scband-base-relative-position-35107062678407 (READ-ONLY COPY).

The authoritative reference and input builder live on the scoring server;
editing this copy changes nothing except your own understanding.
"""

import jax, jax.numpy as jnp
import numpy as np

SEQ_LENGTH = 2048
UNITS = 64
CLIP_VAL = 2


def setup_inputs(seed: int = 0) -> dict:
    key = jax.random.key(seed)
    # Faithful construction of the relative position index matrix from __init__
    tau = jnp.arange(SEQ_LENGTH, dtype=jnp.float32)
    rel = tau[None, :] - tau[:, None]
    rel = jnp.clip(rel, -float(CLIP_VAL), float(CLIP_VAL))
    relative_mat = (rel + CLIP_VAL).astype(jnp.int32)  # values in [0, 2*clip_val]
    # Learned embedding table per build_embedding: shape (2*clip_val+1, units)
    embedding = jax.random.normal(key, (2 * CLIP_VAL + 1, UNITS), dtype=jnp.float32) * 0.05
    return {"relative_mat": relative_mat, "embedding": embedding}


def reference(relative_mat, embedding):
    # _get_embedding: tf.gather_nd(embedding, reshape(relative_mat, (-1,1))) then reshape
    units = embedding.shape[1]
    flat_idx = relative_mat.reshape(-1)
    gathered = jnp.take(embedding, flat_idx, axis=0)
    out = gathered.reshape(relative_mat.shape + (units,))
    return out

if __name__ == "__main__":
    import jax
    _d = setup_inputs()
    print(jax.jit(kernel)(*tuple(_d.values())))

</pallas_src>

<mosaic_0001>
module attributes {stable_mosaic.version = 14 : i64} {
  func.func @_gather_kernel(%arg0: i32, %arg1: i32, %arg2: memref<256x128xi32, #tpu.memory_space<vmem>>, %arg3: memref<128x8192xbf16, #tpu.memory_space<vmem>>, %arg4: memref<5x8192xf32, #tpu.memory_space<vmem>>, %arg5: memref<256x8192xf32, #tpu.memory_space<vmem>>) attributes {dimension_semantics = [#tpu.dimension_semantics<parallel>, #tpu.dimension_semantics<arbitrary>], iteration_bounds = array<i64: 8, 16>, scalar_prefetch = 0 : i64, scratch_operands = 0 : i64, tpu.core_type = #tpu.core_type<tc>, window_params = [{transform_indices = @transform_0, window_bounds = array<i64: 256, 128>}, {pipeline_mode = #tpu.pipeline_mode<synchronous>, transform_indices = @transform_1, window_bounds = array<i64: 128, 8192>}, {pipeline_mode = #tpu.pipeline_mode<synchronous>, transform_indices = @transform_2, window_bounds = array<i64: 5, 8192>}, {transform_indices = @transform_3, window_bounds = array<i64: 256, 8192>}]} {
    %get3A = arith.constant 0 : index
    %get3A_0 = arith.constant 0 : index
    %get3A_1 = vector.load %arg2[%get3A, %get3A_0] : memref<256x128xi32, #tpu.memory_space<vmem>>, vector<256x128xi32>
    %convert_element_type3A = arith.sitofp %get3A_1 : vector<256x128xi32> to vector<256x128xbf16>
    %get3A_2 = arith.constant 0 : index
    %get3A_3 = arith.constant 0 : index
    %get3A_4 = vector.load %arg3[%get3A_2, %get3A_3] : memref<128x8192xbf16, #tpu.memory_space<vmem>>, vector<128x8192xbf16>
    %dot_general3A = arith.constant dense<0.000000e+00> : vector<256x8192xf32>
    %dot_general3A_5 = tpu.matmul %convert_element_type3A, %get3A_4, %dot_general3A {dimension_numbers = #tpu.dot_dimension_numbers<[1], [0], [0], [1], [0, 0, 1, 1], [], []>, transpose_lhs_hint = false} : vector<256x128xbf16>, vector<128x8192xbf16>, vector<256x8192xf32> -> vector<256x8192xf32>
    %get3A_6 = arith.constant 0 : index
    %get3A_7 = arith.constant 0 : index
    %get3A_8 = vector.load %arg4[%get3A_6, %get3A_7] : memref<5x8192xf32, #tpu.memory_space<vmem>>, vector<5x8192xf32>
    %slice3A = vector.extract_strided_slice %get3A_8 {offsets = [0, 0], sizes = [1, 8192], strides = [1, 1]} : vector<5x8192xf32> to vector<1x8192xf32>
    %broadcast_in_dim3A = vector.shape_cast %slice3A : vector<1x8192xf32> to vector<1x8192xf32>
    %broadcast_in_dim3A_9 = vector.broadcast %broadcast_in_dim3A : vector<1x8192xf32> to vector<256x8192xf32>
    %ge3A = arith.constant 5.000000e-01 : f32
    %ge3A_10 = vector.broadcast %ge3A : f32 to vector<256x8192xf32>
    %ge3A_11 = arith.cmpf oge, %dot_general3A_5, %ge3A_10 : vector<256x8192xf32>
    %slice3A_12 = vector.extract_strided_slice %get3A_8 {offsets = [1, 0], sizes = [1, 8192], strides = [1, 1]} : vector<5x8192xf32> to vector<1x8192xf32>
    %broadcast_in_dim3A_13 = vector.shape_cast %slice3A_12 : vector<1x8192xf32> to vector<1x8192xf32>
    %broadcast_in_dim3A_14 = vector.broadcast %broadcast_in_dim3A_13 : vector<1x8192xf32> to vector<256x8192xf32>
    %select_n3A = arith.select %ge3A_11, %broadcast_in_dim3A_14, %broadcast_in_dim3A_9 : vector<256x8192xi1>, vector<256x8192xf32>
    %ge3A_15 = arith.constant 1.500000e+00 : f32
    %ge3A_16 = vector.broadcast %ge3A_15 : f32 to vector<256x8192xf32>
    %ge3A_17 = arith.cmpf oge, %dot_general3A_5, %ge3A_16 : vector<256x8192xf32>
    %slice3A_18 = vector.extract_strided_slice %get3A_8 {offsets = [2, 0], sizes = [1, 8192], strides = [1, 1]} : vector<5x8192xf32> to vector<1x8192xf32>
    %broadcast_in_dim3A_19 = vector.shape_cast %slice3A_18 : vector<1x8192xf32> to vector<1x8192xf32>
    %broadcast_in_dim3A_20 = vector.broadcast %broadcast_in_dim3A_19 : vector<1x8192xf32> to vector<256x8192xf32>
    %select_n3A_21 = arith.select %ge3A_17, %broadcast_in_dim3A_20, %select_n3A : vector<256x8192xi1>, vector<256x8192xf32>
    %ge3A_22 = arith.constant 2.500000e+00 : f32
    %ge3A_23 = vector.broadcast %ge3A_22 : f32 to vector<256x8192xf32>
    %ge3A_24 = arith.cmpf oge, %dot_general3A_5, %ge3A_23 : vector<256x8192xf32>
    %slice3A_25 = vector.extract_strided_slice %get3A_8 {offsets = [3, 0], sizes = [1, 8192], strides = [1, 1]} : vector<5x8192xf32> to vector<1x8192xf32>
    %broadcast_in_dim3A_26 = vector.shape_cast %slice3A_25 : vector<1x8192xf32> to vector<1x8192xf32>
    %broadcast_in_dim3A_27 = vector.broadcast %broadcast_in_dim3A_26 : vector<1x8192xf32> to vector<256x8192xf32>
    %select_n3A_28 = arith.select %ge3A_24, %broadcast_in_dim3A_27, %select_n3A_21 : vector<256x8192xi1>, vector<256x8192xf32>
    %ge3A_29 = arith.constant 3.500000e+00 : f32
    %ge3A_30 = vector.broadcast %ge3A_29 : f32 to vector<256x8192xf32>
    %ge3A_31 = arith.cmpf oge, %dot_general3A_5, %ge3A_30 : vector<256x8192xf32>
    %slice3A_32 = vector.extract_strided_slice %get3A_8 {offsets = [4, 0], sizes = [1, 8192], strides = [1, 1]} : vector<5x8192xf32> to vector<1x8192xf32>
    %broadcast_in_dim3A_33 = vector.shape_cast %slice3A_32 : vector<1x8192xf32> to vector<1x8192xf32>
    %broadcast_in_dim3A_34 = vector.broadcast %broadcast_in_dim3A_33 : vector<1x8192xf32> to vector<256x8192xf32>
    %select_n3A_35 = arith.select %ge3A_31, %broadcast_in_dim3A_34, %select_n3A_28 : vector<256x8192xi1>, vector<256x8192xf32>
    %swap3A = arith.constant 0 : index
    %swap3A_36 = arith.constant 0 : index
    %swap3A_37 = vector.load %arg5[%swap3A, %swap3A_36] : memref<256x8192xf32, #tpu.memory_space<vmem>>, vector<256x8192xf32>
    tpu.vector_store %arg5[%swap3A, %swap3A_36], %select_n3A_35 {strides = array<i32>} : memref<256x8192xf32, #tpu.memory_space<vmem>>, vector<256x8192xf32>,
    return
  }
  func.func @transform_0(%arg0: i32, %arg1: i32) -> (i32, i32) {
    %c0_i32 = arith.constant 0 : i32
    return %arg0, %arg1 : i32, i32
  }
  func.func @transform_1(%arg0: i32, %arg1: i32) -> (i32, i32) {
    %c0_i32 = arith.constant 0 : i32
    %c0_i32_0 = arith.constant 0 : i32
    %c0_i32_1 = arith.constant 0 : i32
    return %c0_i32, %c0_i32_0 : i32, i32
  }
  func.func @transform_2(%arg0: i32, %arg1: i32) -> (i32, i32) {
    %c0_i32 = arith.constant 0 : i32
    %c0_i32_0 = arith.constant 0 : i32
    %c0_i32_1 = arith.constant 0 : i32
    return %c0_i32, %c0_i32_0 : i32, i32
  }
  func.func @transform_3(%arg0: i32, %arg1: i32) -> (i32, i32) {
    %c0_i32 = arith.constant 0 : i32
    return %arg0, %arg1 : i32, i32
  }
}

</mosaic_0001>

<sc_bundles>
// kernel: sparse-core-data-format-call.cloned.1.call-start
scs
called_computation_lowered:
.L_overlay_start_0:
0x0: {  	s2 =	sld [smem:$0x3FD9]  }
0x1: {  	s3 =	sld [smem:$0x3FFE];
	_ =	sdelay $0x1  }
0x2: {  	s1 =	srdreg.scid  }
0x3: {  	s0 =	sand.u32 $0x1, s1  }
0x4: {  	s18 =	sshll.u32 s0, $0xA;
	s2 =	sadd.s32 s3, s2  }
0x5: {  	s2 =	sadd.s32 s2, s18  }
0x6: {  	[smem:$0x3FC6] =	sst s2  }
0x7: {  	_ = 	snop  }
0x8: {  	s2 =	sld [smem:$0x3FD0];
	(tm) =	ssettm $0x1  }
0x9: {  	s19 =	sld [smem:$0x3FFB];
	_ =	sdelay $0x3  }
0xa: {  	_ =	strace s19  }
0xb: {  	s3 =	sld [smem:$0x3FFC];
	_ =	sdelay $0x3  }
0xc: {  	_ =	strace s3  }
0xd: {  	s3 =	sld [smem:$0x3FFD];
	_ =	sdelay $0x3  }
0xe: {  	_ =	strace s3  }
0xf: {  	_ =	strace $0x8FFFFFFF  }
0x10: {  	s20 =	sld [smem:$0x3FDB];
	_ =	sdelay $0x1  }
0x11: {  	s4 =	simm.s32 $_scs_section_size  }
0x12: {  	s5 =	simm.s32 $_size__tile_overlayer_lowered;
	s6 =	simm.s32 $_tile_overlayer_lowered  }
0x13: {  	s23 =	simm.s32 $0x1BFF;
	s22 =	sshll.u32 s6, $0x1;
	s3 =	sadd.s32 s4, s20  }
0x14: {  	s7 =	simm.s32 $0x0;
	s21 =	sshll.u32 s5, $0x1;
	s5 =	sadd.s32 s22, s3  }
0x15: {  	[timem:s7], [sflag:s23] =	dma.local [hbm:s5], s21  }
0x16: {  	_ =	swait.ge [sflag:s23], s21  }
0x17: {  	s4 =	ssub.s32 $0x0, s21;
	[sflag:s23] =	ssyncset.done $0x0  }
0x18: {  	[sflag:s23] =	ssyncadd.s32 s4;
	_ =	sdelay $0x1  }
0x19: {  	s24 =	simm.s32 $0x1B8B  }
0x1a: {  	_ =	swait.ge [sflag:s24], $0x1  }
0x1b: {  	[sflag:s24] =	ssyncset.done $0x0  }
0x1c: {  	s26 =	simm.s32 $0x1B8E;
	s25 =	sld [smem:$0x3FFE];
	[sflag:s24] =	ssyncadd.s32 $0xFFFFFFFF  }
0x1d: {  	s27 =	simm.s32 $execute0_lowered;
	[smem:$0x3FD2] =	sst s26  }
0x1e: {  	s5 =	sshll.u32 s27, $0x1;
	_ =	strace $0x80000046;
	[dreg:$0x1] =	wrdreg $0xFFFFFFFF  }
0x1f: {  	s28 =	simm.s32 $_size_execute0_lowered;
	s3 =	sadd.s32 s3, s5;
	[dreg:$0x0] =	wrdreg $0x0  }
0x20: {  	s5 =	sshll.u32 s28, $0x1;
	[dreg:$0x2] =	wrdreg s3  }
0x21: {  	[dreg:$0x3] =	wrdreg s5  }
0x22: {  	[dreg:$0x4] =	wrdreg $0xC0  }
0x23: {  	_ =	task [dreg:s7], $0x5FFFF  }
0x24: {  	[dreg:$0x1] =	wrdreg $0xFFFFFFFF  }
0x25: {  	[dreg:$0x0] =	wrdreg $0x60  }
0x26: {  	[dreg:$0x2] =	wrdreg s25  }
0x27: {  	[dreg:$0x3] =	wrdreg s2  }
0x28: {  	[dreg:$0x4] =	wrdreg $0x9  }
0x29: {  	_ =	task.clear_ibuf [dreg:s7], $0x5FFFF;
	_ =	strace $0x90000046  }
0x2a: {  	s29 =	simm.s32 $0x9;
	_ =	strace $0x80000048  }
0x2b: {  	_ =	swait.ge [sflag:s29], $0x1  }
0x2c: {  	[sflag:s29] =	ssyncadd.s32 $0xFFFFFFFF  }
0x2d: {  	_ =	strace $0x90000048  }
0x2e: {  	_ =	sfence  }
0x2f: {  	s30 =	sld [smem:$0x0];
	_ =	sdelay $0x2  }
0x30: {  	s31 =	sshll.u32 s1, $0xD;
	s1 =	sshrl.u32 s1, $0x2  }
0x31: {  	s3 =	sand.u32 $0x4000, s31;
	s1 =	sadd.s32 s1, s30  }
0x32: {  	s0 =	sor.u32 s3, s0;
	s1 =	sshll.u32 s1, $0x11  }
0x33: {  	s0 =	sor.u32 s1, s0  }
0x34: {  	s0 =	sadd.s32 $0x8F2B, s0  }
0x35: {  	[sflag:s0] =	ssyncadd.remote.s32 $0x1  }
0x36: {  	_ =	sfence.sel $0xFFFF  }
0x37: {  	[dreg:$0x0] =	wrdreg $0xFFFFFFFF;
	(pc) =	sbr.abs _section_cstart, $3  }
0x38: {  	[dreg:$0x1] =	wrdreg $0xFFFFFFFF  }
0x39: {  	_ =	task.clear_ibuf [dreg:s7], $0x2FFFF;
	_ =	strace $0x9FFFFFFF  }
0x3a: {  	(tm) =	ssettm $0x7FFFFFFF  }
0x3b: {  	_ =	shalt  }
tec
execute0_lowered:
.L_overlay_start_1:
0x0: {  	(tag) =	ssettag $0x1  }
0x1: {  	s0 =	stileid.u32  }
0x2: {  	s2 =	srdreg.scid;
	s5 =	rddreg [dreg:$0x0]  }
0x3: {  	s6 =	simm.s32 $0x1;
	s31 =	simm.s32 $0x2;
	s14 =	simm.s32 $0x0  }
0x4: {  	s9 =	simm.s32 $0x20000;
	s16 =	simm.s32 $0x0;
	s1 =	sshll.u32 s0, $0x7  }
0x5: {  	s15 =	simm.s32 $0x0;
	s10 =	simm.s32 $0x0;
	s3 =	ssub.s32 $0x800, s1  }
0x6: {  	s13 =	simm.s32 $0x0;
	s2 =	sand.u32 $0x1, s2;
	s4 =	sand.u32 $0x780, s3  }
0x7: {  	s5 =	sadd.s32 $0x600, s5;
	s7 =	ssub.s32 $0x40, s2;
	p0 =	sne.s32 s4, $0x0  }
0x8: {  	s3 =	sshrl.u32 s3, $0xB;
	s8 =	sshrl.u32 s7, $0x1;
	s6 =	simm.s32 @!p0 $0x0  }
.Ltmp0:
0x9: {  	s7 =	ssub.s32 s7, s8;
	s6 =	sadd.s32 s6, s3;
	(pc) =	sbr.rel .LBB1_1-.Ltmp0, $4  }
0xa: {  	s11 =	smov.u32 s2;
	s4 =	rddreg [dreg:$0x1];
	s7 =	smul.u32 s6, s7  }
0xb: {  	s3 =	rddreg [dreg:$0x2];
	_ =	strace $0x80000047;
	s6 =	simm.s32 $0x1  }
0xc: {  	s12 =	smov.u32 s1;
	[sflag:s6] =	ssyncpa.u1 $0x0;
	s7 =	sshll.u32 s7, $0x4  }
0xd: {  	p0 =	por $0x0, $0x0;
	[sflag:s31] =	ssyncpa.u1 $0x0;
	s8 =	sor.u32 $0x1, s7  }
.LBB1_4:
0xe: {  	v5 =	vld [tilespmem:s19+$0xFFFFFFD0];
	[tilespmem:s20+$0x2040 ss:$0x81] =	vst.msk $0xffff, v1  }
0xf: {  	v58 =	vld [tilespmem:s19+$0xFFFFFFE0];
	[tilespmem:s20+$0x2850 ss:$0x81] =	vst.msk $0xffff, v2  }
0x10: {  	s21 =	sshra.s32 s21, $0x2;
	v59 =	vld [tilespmem:s19+$0xFFFFFFF0];
	[tilespmem:s20+$0x3060 ss:$0x81] =	vst.msk $0xffff, v3  }
0x11: {  	v60 =	vld [tilespmem:s19+$0x0];
	[tilespmem:s20+$0x0 ss:$0x81] =	vst.msk $0xffff, v0;
	s18 =	sadd.s32 s21, s18  }
0x12: {  	v61 =	vld [tilespmem:s19+$0x10];
	s26 =	sshll.u32 s16, $0xB;
	[tilespmem:s18+$0x3870 ss:$0x81] =	vst.msk $0xffff, v4  }
0x13: {  	v62 =	vld [tilespmem:s19+$0x20];
	s27 =	sand.u32 $0x78, s15;
	s22 =	sshll.u32 s15, $0x3;
	s29 =	sshll.u32 s16, $0x7;
	[tilespmem:s18+$0x810 ss:$0x81] =	vst.msk $0xffff, v5  }
0x14: {  	v63 =	vld [tilespmem:s19+$0xFFFFFFC0];
	s14 =	sshll.u32 s14, $0xE;
	s20 =	sand.u32 $0x1C000, s26;
	s28 =	sand.u32 $0x1FC00, s22;
	[tilespmem:s18+$0x1020 ss:$0x81] =	vst.msk $0xffff, v58  }
0x15: {  	s31 =	sand.u32 $0x7, s15;
	s22 =	sand.u32 $0x400, s22;
	s19 =	sadd.s32 s28, s20;
	[tilespmem:s18+$0x1830 ss:$0x81] =	vst.msk $0xffff, v59  }
0x16: {  	s16 =	sand.u32 $0x380, s29;
	s30 =	sor.u32 s27, s22;
	s19 =	sshrl.u32 s19, $0x3;
	[tilespmem:s18+$0x2040 ss:$0x81] =	vst.msk $0xffff, v60  }
0x17: {  	s14 =	sadd.s32 s4, s14;
	s16 =	sor.u32 s16, s30;
	s19 =	sand.u32 $0x3F00, s19;
	[tilespmem:s18+$0x2850 ss:$0x81] =	vst.msk $0xffff, v61  }
0x18: {  	s15 =	sshll.u32 s31, $0x12;
	s16 =	sshrl.u32 s16, $0x3;
	[tilespmem:s18+$0x3060 ss:$0x81] =	vst.msk $0xffff, v62;
	s14 =	sadd.s32 s19, s14  }
0x19: {  	s15 =	sor.u32 $0x80, s15;
	[tilespmem:s18+$0x0 ss:$0x81] =	vst.msk $0xffff, v63;
	s14 =	sadd.s32 s16, s14  }
0x1a: {  	[hbm4b:s14+s15] =	stream.strided.scatter [tilespmem:s17], [sflag:$0x2], $0x4000, s9, s15, $0x20;
	[tilespmem:$0x10100] =	vst v63  }
.LBB1_5:
0x1b: {  	s17 =	sadd.s32 $0x80, s10  }
0x1c: {  	s14 =	sadd.s32 $0x2, s11;
	s18 =	smov.u32 s11;
	p2 =	sgt.s32 s17, $0x7FF  }
0x1d: {  	s18 =	smov.u32 @p2 s14  }
0x1e: {  	s20 =	smov.u32 s12;
	s14 =	sadd.s32 $0x800, s12;
	p3 =	sgt.s32 s18, $0x3F  }
0x1f: {  	s20 =	smov.u32 @p3 s14  }
0x20: {  	s17 =	simm.s32 @p2 $0x0;
	p2 =	sgt.s32 s20, $0x7FF  }
0x21: {  	p1 =	slt.u32 s13, $0x2;
	s20 =	smov.u32 @p2 s1;
	p2 =	sne.s32 s13, s8  }
.Ltmp1:
0x22: {  	s19 =	simm.s32 @!p1 $0x2;
	(pc) =	sbr.rel @!p2 .LBB1_6-.Ltmp1, $4  }
0x23: {  	s16 =	smov.u32 s11;
	s15 =	smov.u32 s12;
	_ =	swait.ge @!p1 [sflag:s19], $0x4000  }
0x24: {  	p0 =	por !p0, !p0;
	[sflag:s19] =	ssyncset.done @!p1 $0x0;
	s18 =	smov.u32 @p3 s2  }
0x25: {  	s14 =	smov.u32 s10;
	[sflag:s19] =	ssyncadd.s32 @!p1 $0xFFFFC000;
	s10 =	smov.u32 s17  }
0x26: {  	s11 =	smov.u32 s18;
	s13 =	sadd.s32 $0x1, s13;
	s12 =	smov.u32 s20  }
.LBB1_1:
0x27: {  	p1 =	sge.u32 s13, s7;
	s31 =	sadd.s32 $0xFFFFFFFF, s13  }
0x28: {  	s17 =	sxor.u32 @!p1 $0xFFFFFFFF, s13;
	s18 =	sand.u32 @!p1 $0x78, s10;
	s19 =	sshll.u32 @!p1 s11, $0xB  }
0x29: {  	s20 =	sshll.u32 @!p1 s11, $0x7;
	s21 =	sshll.u32 @!p1 s10, $0x3;
	s17 =	sshll.u32 @!p1 s17, $0xE  }
0x2a: {  	s19 =	sand.u32 @!p1 $0x1C000, s19;
	s20 =	sand.u32 @!p1 $0x380, s20;
	s17 =	sand.u32 @!p1 $0x4000, s17  }
0x2b: {  	s19 =	sadd.s32 @!p1 s19, s21;
	s21 =	sand.u32 @!p1 $0x400, s21;
	s18 =	sor.u32 @!p1 s20, s18  }
0x2c: {  	s20 =	sshll.u32 @!p1 s12, $0xE;
	s18 =	sor.u32 @!p1 s21, s18;
	s19 =	sshrl.u32 @!p1 s19, $0x3  }
0x2d: {  	s20 =	sadd.s32 @!p1 s5, s20;
	s21 =	sand.u32 @!p1 $0x7, s10;
	s19 =	sand.u32 @!p1 $0x3F00, s19  }
0x2e: {  	s18 =	sshrl.u32 @!p1 s18, $0x3;
	s19 =	sadd.s32 @!p1 s19, s20;
	s20 =	sshll.u32 @!p1 s21, $0x12  }
0x2f: {  	s18 =	sadd.s32 @!p1 s18, s19;
	s19 =	sor.u32 @!p1 $0x80, s20;
	s20 =	simm.s32 @!p1 $0x20000  }
0x30: {  	[tilespmem:s17], [sflag:$0x1] =	stream.strided.gather @!p1 [hbm4b:s18+s19], $0x4000, s20, s19, $0x38;
	[tilespmem:$0x10100] =	vst v63  }
0x31: {  	p1 =	sge.u32 s31, s7  }
.Ltmp2:
0x32: {  	_ = 	snop;
	(pc) =	sbr.rel @p1 .LBB1_5-.Ltmp2, $1  }
0x33: {  	_ =	sdelay $0x3  }
0x34: {  	s17 =	simm.s32 $0x1  }
0x35: {  	_ =	swait.ge [sflag:s6], $0x4000;
	s17 =	simm.s32 @!p0 $0x0  }
0x36: {  	[sflag:s6] =	ssyncset.done $0x0;
	s18 =	sshll.u32 s17, $0xE  }
0x37: {  	[sflag:s6] =	ssyncadd.s32 $0xFFFFC000;
	s19 =	sor.u32 $0x40, s18  }
0x38: {  	s17 =	smul.u32 $0x10200, s17;
	v0 =	vld [tilespmem:s19+$0x30]  }
0x39: {  	v3 =	vld [tilespmem:s19+$0xFFFFFFD0]  }
0x3a: {  	s17 =	sshrl.u32 s17, $0x2;
	v4 =	vld [tilespmem:s19+$0xFFFFFFE0]  }
0x3b: {  	v5 =	vld [tilespmem:s19+$0xFFFFFFF0];
	s18 =	sor.u32 $0x8000, s17  }
0x3c: {  	s31 =	sand.u32 $0x1, s13;
	v1 =	vld [tilespmem:s19+$0x0];
	s20 =	sadd.s32 $0x0, s18  }
0x3d: {  	v2 =	vld [tilespmem:s19+$0x10];
	s17 =	smul.u32 $0x10200, s31;
	[tilespmem:s20+$0x3870 ss:$0x81] =	vst.msk $0xffff, v0  }
0x3e: {  	[tilespmem:s20+$0x810 ss:$0x81] =	vst.msk $0xffff, v3;
	v3 =	vld [tilespmem:s19+$0x20]  }
0x3f: {  	s17 =	sshrl.u32 s17, $0x2;
	v0 =	vld [tilespmem:s19+$0xFFFFFFC0];
	[tilespmem:s20+$0x1020 ss:$0x81] =	vst.msk $0xffff, v4;
	s19 =	sadd.s32 $0x80, s19  }
0x40: {  	s21 =	simm.s32 $0x4;
	s22 =	simm.s32 $0x8;
	s17 =	sor.u32 $0x8000, s17;
	[tilespmem:s20+$0x1830 ss:$0x81] =	vst.msk $0xffff, v5;
	v4 =	vld [tilespmem:s19+$0x30]  }
.LBB1_3:
0x41: {  	p1 =	sne.s32 s22, $0x1FC;
	v5 =	vld [tilespmem:s19+$0xFFFFFFD0];
	[tilespmem:s20+$0x2040 ss:$0x81] =	vst.msk $0xffff, v1  }
0x42: {  	v6 =	vld [tilespmem:s19+$0xFFFFFFE0];
	[tilespmem:s20+$0x2850 ss:$0x81] =	vst.msk $0xffff, v2  }
0x43: {  	s23 =	sshra.s32 s21, $0x2;
	s21 =	smov.u32 s22;
	v7 =	vld [tilespmem:s19+$0xFFFFFFF0];
	[tilespmem:s20+$0x3060 ss:$0x81] =	vst.msk $0xffff, v3  }
.Ltmp3:
0x44: {  	v1 =	vld [tilespmem:s19+$0x0];
	[tilespmem:s20+$0x0 ss:$0x81] =	vst.msk $0xffff, v0;
	s20 =	sadd.s32 s23, s18;
	(pc) =	sbr.rel @p1 .LBB1_3-.Ltmp3, $4  }
0x45: {  	v2 =	vld [tilespmem:s19+$0x10];
	[tilespmem:s20+$0x3870 ss:$0x81] =	vst.msk $0xffff, v4  }
0x46: {  	[tilespmem:s20+$0x810 ss:$0x81] =	vst.msk $0xffff, v5;
	v3 =	vld [tilespmem:s19+$0x20]  }
0x47: {  	v0 =	vld [tilespmem:s19+$0xFFFFFFC0];
	[tilespmem:s20+$0x1020 ss:$0x81] =	vst.msk $0xffff, v6;
	s19 =	sadd.s32 $0x80, s19  }
0x48: {  	s22 =	sadd.s32 $0x4, s22;
	v4 =	vld [tilespmem:s19+$0x30];
	[tilespmem:s20+$0x1830 ss:$0x81] =	vst.msk $0xffff, v7  }
.Ltmp4:
0x49: {  	_ = 	snop;
	(pc) =	sbr.rel .LBB1_4-.Ltmp4, $1  }
0x4a: {  	_ =	sdelay $0x3  }
.LBB1_6:
0x4b: {  	_ =	sfence.sel $0x180000  }
0x4c: {  	s1 =	simm.s32 $0x1;
	[bflag:$0x0] =	sbarrier.arrive $0xFFFF  }
0x4d: {  	s31 =	simm.s32 $0x2;
	[sflag:s1] =	ssyncpa.u1 $0x1  }
0x4e: {  	[sflag:s31] =	ssyncpa.u1 $0x1  }
0x4f: {  	p0 =	sne.s32 s0, $0x0;
	_ =	strace $0x90000047  }
0x50: {  	s0 =	sadd.s32 @!p0 $0x100000, s3;
	[bflag:$0x2] =	sbarrier.arrive $0xFFFF  }
0x51: {  	[sflag:s0] =	ssyncadd.tile.s32 @!p0 $0x1;
	_ =	shalt  }
.Lfunc_end1:
_tile_overlayer_lowered:
.L_overlay_start_2:
0x52: {  	(tag) =	ssettag $0x2  }
0x53: {  	s0 =	rddreg [dreg:$0x0];
	s2 =	stileid.u32  }
0x54: {  	s1 =	rddreg [dreg:$0x1];
	p0 =	sne.s32 s2, $0x0  }
0x55: {  	s3 =	rddreg [dreg:$0x2];
	[bflag:$0x3] =	sbarrier.arrive $0xFFFF;
	s2 =	simm.s32 @!p0 $0x1C01  }
0x56: {  	[timem:s3], [sflag:s2] =	dma.local @!p0 [hbm:s0], s1  }
0x57: {  	s0 =	simm.s32 @!p0 $0x1  }
0x58: {  	_ =	swait.ge @!p0 [sflag:s0], s1  }
0x59: {  	s1 =	ssub.s32 @!p0 $0x0, s1;
	[sflag:s0] =	ssyncset.done @!p0 $0x0  }
0x5a: {  	[sflag:s0] =	ssyncadd.s32 @!p0 s1  }
0x5b: {  	[bflag:$0x3] =	sbarrier.arrive $0xFFFF  }
0x5c: {  	_ =	shalt  }

</sc_bundles>
